<compile_context>
chip_gen: v7x
topology: tpu7x:2x2x1
jax: 0.10.2.dev20260603
libtpu: 0.0.44.dev20260713+nightly
codegen_flags: <defaults>
</compile_context>

<pallas_src>
import functools

import jax
import jax.numpy as jnp
from jax import lax
from jax.experimental import pallas as pl
from jax.experimental.pallas import tpu as pltpu
from jax.experimental.pallas import tpu_sc as plsc

T = 8192
D = 4096

NC = 2
NS = 16
NW = NC * NS
ROWS_PER_W = T // NW
CHUNK = 16
NCHUNK = ROWS_PER_W // CHUNK

_mesh = plsc.VectorSubcoreMesh(core_axis_name="c", subcore_axis_name="s")


@functools.partial(
    pl.kernel,
    mesh=_mesh,
    out_type=jax.ShapeDtypeStruct((T, D), jnp.float32),
    scratch_types=[
        pltpu.VMEM((CHUNK,), jnp.int32),
        pltpu.VMEM((CHUNK, D), jnp.float32),
        pltpu.SemaphoreType.DMA,
    ],
)
def _sc_gather(table_hbm, idx_hbm, out_hbm, idx_v, rows_v, sem):
    wid = lax.axis_index("s") * NC + lax.axis_index("c")
    base = wid * ROWS_PER_W

    def body(c, carry):
        b = base + c * CHUNK
        pltpu.sync_copy(idx_hbm.at[pl.ds(b, CHUNK)], idx_v)
        pltpu.async_copy(table_hbm.at[idx_v], rows_v, sem).wait()
        pltpu.sync_copy(rows_v, out_hbm.at[pl.ds(b, CHUNK)])
        return carry

    lax.fori_loop(0, NCHUNK, body, 0)


@jax.jit
def kernel(result, input, lora_a, lora_b, adapter_indices):
    del result, lora_a, lora_b
    perm = jnp.argsort(adapter_indices.astype(jnp.int32)).astype(jnp.int32)
    return _sc_gather(input, perm)

# --- scband reference (transcript-rebuilt; emitter-appended) ---
"""Pipeline reference for scband-lora-linear-14139032338753 (READ-ONLY COPY).

The authoritative reference and input builder live on the scoring server;
editing this copy changes nothing except your own understanding.
"""

import jax, jax.numpy as jnp
import numpy as np

T = 8192      # batch(4) * seq_len(2048) flattened tokens
D = 4096      # d_model (input hidden size)
R = 64        # LoRA rank
DOUT = 4096   # output hidden size of the wrapped base linear
A = 8         # number of active adapters in the batch (adapter_set)


def setup_inputs(seed: int = 0) -> dict:
    key = jax.random.key(seed)
    k1, k2, k3, k4 = jax.random.split(key, 4)
    return {
        # `result` is the pre-computed base_layer output that LoRA deltas are added into
        "result": jnp.zeros((T, DOUT), dtype=jnp.float32),
        "input": jax.random.normal(k1, (T, D), dtype=jnp.float32),
        # stacked per-adapter LoRA weights for this layer_id: data.lora_a[i][layer_id]
        "lora_a": jax.random.normal(k2, (A, D, R), dtype=jnp.float32) * 0.02,
        "lora_b": jax.random.normal(k3, (A, R, DOUT), dtype=jnp.float32) * 0.02,
        # adapter_data.meta.adapter_indices: which adapter each token routes to
        "adapter_indices": jax.random.randint(k4, (T,), 0, A),
    }


def reference(result, input, lora_a, lora_b, adapter_indices):
    # Faithful translation of the non-vectorized fallback path of
    # LoraLinear.forward_layer_type -> forward_lora:
    #   for each adapter in adapter_set:
    #     mask = (adapter_indices == adapter).view(-1, 1)
    #     a_out = input @ lora_a[adapter]            (orient_for_rank: [D, R])
    #     result[:, start:end] += (a_out @ lora_b[adapter]) * mask
    # Here start_idx=0, end_idx=DOUT (full slice).
    out = result
    for adapter_index in range(A):
        adapter_mask = (adapter_indices == adapter_index).astype(input.dtype)[:, None]
        a_out = input @ lora_a[adapter_index]          # [T, R] shrink
        layer_result = (a_out @ lora_b[adapter_index]) * adapter_mask  # [T, DOUT] expand + mask
        out = out + layer_result
    return out

if __name__ == "__main__":
    import jax
    _d = setup_inputs()
    print(jax.jit(kernel)(*tuple(_d.values())))

</pallas_src>

<mosaic_0001>
#map = affine_map<(d0, d1) -> (0, 0)>
#map1 = affine_map<(d0, d1) -> (0)>
module attributes {stable_mosaic.version = 14 : i64} {
  func.func @_sc_gather(%arg0: i32, %arg1: i32, %arg2: memref<8192x4096xf32, #tpu.memory_space<hbm>>, %arg3: memref<8192xi32, #tpu.memory_space<hbm>>, %arg4: memref<8192x4096xf32, #tpu.memory_space<hbm>>, %arg5: memref<16xi32, #tpu.memory_space<vmem>>, %arg6: memref<16x4096xf32, #tpu.memory_space<vmem>>, %arg7: memref<!tpu.dma_semaphore, #tpu.memory_space<semaphore_mem>>) attributes {dimension_semantics = [#tpu.dimension_semantics<core_parallel>, #tpu.dimension_semantics<subcore_parallel>], iteration_bounds = array<i64: 2, 16>, scalar_prefetch = 0 : i64, scratch_operands = 3 : i64, tpu.core_type = #tpu.core_type<sc_vector_subcore>, window_params = [{transform_indices = #map}, {transform_indices = #map1}, {transform_indices = #map}]} {
    %mul3A = arith.constant 2 : i32
    %mul3A_0 = arith.muli %arg1, %mul3A : i32
    %add3A = arith.addi %mul3A_0, %arg0 : i32
    %mul3A_1 = arith.constant 256 : i32
    %mul3A_2 = arith.muli %add3A, %mul3A_1 : i32
    %scan3A = arith.constant 0 : i32
    %scan3A_3 = arith.constant 0 : i32
    %scan3A_4 = arith.constant 16 : i32
    %scan3A_5 = arith.addi %scan3A_3, %scan3A_4 : i32
    %scan3A_6 = arith.constant 1 : i32
    scf.for %scan3A_8 = %scan3A_3 to %scan3A_5 step %scan3A_6  : i32 {
      %mul3A_9 = arith.constant 16 : i32
      %mul3A_10 = arith.muli %scan3A_8, %mul3A_9 : i32
      %add3A_11 = arith.addi %mul3A_2, %mul3A_10 : i32
      "tpu.region"() ({
        %run_scoped3A = tpu.sem_alloc : memref<!tpu.dma_semaphore, #tpu.memory_space<semaphore_mem>>
        %dma_start3A_16 = tpu.memref_slice %arg3[%add3A_11] : memref<8192xi32, #tpu.memory_space<hbm>> -> memref<16xi32, #tpu.memory_space<hbm>>
        %dma_start3A_17 = tpu.memref_slice %arg3[%add3A_11] : memref<8192xi32, #tpu.memory_space<hbm>> -> memref<16xi32, #tpu.memory_space<hbm>>
        tpu.enqueue_dma source(%dma_start3A_17 : memref<16xi32, #tpu.memory_space<hbm>>) target(%arg5 : memref<16xi32, #tpu.memory_space<vmem>>) target_semaphore(%run_scoped3A : memref<!tpu.dma_semaphore, #tpu.memory_space<semaphore_mem>>)
        %dma_wait3A_18 = tpu.memref_slice %arg3[%add3A_11] : memref<8192xi32, #tpu.memory_space<hbm>> -> memref<16xi32, #tpu.memory_space<hbm>>
        %dma_wait3A_19 = tpu.memref_slice %arg3[%add3A_11] : memref<8192xi32, #tpu.memory_space<hbm>> -> memref<16xi32, #tpu.memory_space<hbm>>
        tpu.wait_dma2 semaphore(%run_scoped3A : memref<!tpu.dma_semaphore, #tpu.memory_space<semaphore_mem>>) src(%dma_wait3A_19 : memref<16xi32, #tpu.memory_space<hbm>>) dst(%arg5 : memref<16xi32, #tpu.memory_space<vmem>>)
        tpu.yield
      }) : () -> ()
      %dma_start3A = arith.constant 0 : i32
      %dma_start3A_12 = arith.constant 0 : i32
      %dma_start3A_13 = tpu.memref_slice %arg2[%dma_start3A, %dma_start3A_12] : memref<8192x4096xf32, #tpu.memory_space<hbm>> -> memref<8192x4096xf32, #tpu.memory_space<hbm>>
      tpu.enqueue_indirect_dma source(%dma_start3A_13 : memref<8192x4096xf32, #tpu.memory_space<hbm>>) target(%arg6 : memref<16x4096xf32, #tpu.memory_space<vmem>>) offsets(%arg5 : memref<16xi32, #tpu.memory_space<vmem>>) semaphore(%arg7 : memref<!tpu.dma_semaphore, #tpu.memory_space<semaphore_mem>>)
      %dma_wait3A = arith.constant 0 : i32
      %dma_wait3A_14 = arith.constant 0 : i32
      %dma_wait3A_15 = tpu.memref_slice %arg2[%dma_wait3A, %dma_wait3A_14] : memref<8192x4096xf32, #tpu.memory_space<hbm>> -> memref<8192x4096xf32, #tpu.memory_space<hbm>>
      tpu.wait_indirect_dma semaphore(%arg7 : memref<!tpu.dma_semaphore, #tpu.memory_space<semaphore_mem>>) src(%dma_wait3A_15 : memref<8192x4096xf32, #tpu.memory_space<hbm>>) dst(%arg6 : memref<16x4096xf32, #tpu.memory_space<vmem>>)
      "tpu.region"() ({
        %run_scoped3A = tpu.sem_alloc : memref<!tpu.dma_semaphore, #tpu.memory_space<semaphore_mem>>
        %dma_start3A_16 = arith.constant 0 : i32
        %dma_start3A_17 = tpu.memref_slice %arg4[%add3A_11, %dma_start3A_16] : memref<8192x4096xf32, #tpu.memory_space<hbm>> -> memref<16x4096xf32, #tpu.memory_space<hbm>>
        %dma_start3A_18 = arith.constant 0 : i32
        %dma_start3A_19 = tpu.memref_slice %arg4[%add3A_11, %dma_start3A_18] : memref<8192x4096xf32, #tpu.memory_space<hbm>> -> memref<16x4096xf32, #tpu.memory_space<hbm>>
        tpu.enqueue_dma source(%arg6 : memref<16x4096xf32, #tpu.memory_space<vmem>>) target(%dma_start3A_19 : memref<16x4096xf32, #tpu.memory_space<hbm>>) target_semaphore(%run_scoped3A : memref<!tpu.dma_semaphore, #tpu.memory_space<semaphore_mem>>)
        %dma_wait3A_20 = arith.constant 0 : i32
        %dma_wait3A_21 = tpu.memref_slice %arg4[%add3A_11, %dma_wait3A_20] : memref<8192x4096xf32, #tpu.memory_space<hbm>> -> memref<16x4096xf32, #tpu.memory_space<hbm>>
        %dma_wait3A_22 = arith.constant 0 : i32
        %dma_wait3A_23 = tpu.memref_slice %arg4[%add3A_11, %dma_wait3A_22] : memref<8192x4096xf32, #tpu.memory_space<hbm>> -> memref<16x4096xf32, #tpu.memory_space<hbm>>
        tpu.wait_dma2 semaphore(%run_scoped3A : memref<!tpu.dma_semaphore, #tpu.memory_space<semaphore_mem>>) src(%arg6 : memref<16x4096xf32, #tpu.memory_space<vmem>>) dst(%dma_wait3A_23 : memref<16x4096xf32, #tpu.memory_space<hbm>>)
        tpu.yield
      }) : () -> ()
    }
    %scan3A_7 = arith.constant 16 : i32
    return
  }
}

</mosaic_0001>

<sc_bundles>
// kernel: kernel.3.cloned.1.call-start
scs
__scs_entry_jumppad:
0x0: {  	(pc) =	sbr.rel $0x88, $3  }
0x1: {  	(tag) =	ssettag $0x0;
	lr =	simm.s32 $0x1  }
0x2: {  	[smem:$0x3F9F] =	sst lr;
	_ =	strace $0xD0000000  }
0x3: {  	_ = 	snop  }
0x4: {  	_ = 	snop  }
0x5: {  	_ = 	snop  }
0x6: {  	_ = 	snop  }
0x7: {  	_ = 	snop  }
__scs_overlays_trampoline_lowered:
0x8: {  	[smem:$0x3FAE] =	sst s0  }
0x9: {  	[smem:$0x3FAF] =	sst s1  }
0xa: {  	[smem:$0x3FB0] =	sst s2  }
0xb: {  	[smem:$0x3FB1] =	sst s3  }
0xc: {  	[smem:$0x3FB2] =	sst s4  }
0xd: {  	[smem:$0x3FB3] =	sst s5  }
0xe: {  	[smem:$0x3FB4] =	sst s6  }
0xf: {  	[smem:$0x3FB5] =	sst s7  }
0x10: {  	[smem:$0x3FB6] =	sst s8  }
0x11: {  	[smem:$0x3FB7] =	sst s9;
	s0 =	simm.s32 @!p0 $0x0  }
0x12: {  	s1 =	sld [smem:$0x3F9D];
	s0 =	simm.s32 @p0 $0x1  }
0x13: {  	[smem:$0x3FB8] =	sst s0;
	s0 =	simm.s32 @!p1 $0x0  }
0x14: {  	s2 =	sld [smem:$0x3F9C];
	s0 =	simm.s32 @p1 $0x1  }
0x15: {  	[smem:$0x3FB9] =	sst s0;
	s0 =	simm.s32 @!p2 $0x0  }
0x16: {  	s3 =	sld [smem:$0x3FDB];
	s0 =	simm.s32 @p2 $0x1  }
0x17: {  	s4 =	simm.s32 $0x1BF5;
	[smem:$0x3FBB] =	sst s0  }
0x18: {  	s0 =	sld [smem:$0x3F9E];
	_ =	swait.ge [sflag:s4], $0x0  }
0x19: {  	s7 =	sld [smem:$0x3F9F]  }
0x1a: {  	s8 =	sadd.s32 $0xFFFFE003, lr  }
0x1b: {  	s9 =	sadd.s32 $0xFFFFFEF7, lr;
	s5 =	simm.s32 $0xFFFFFFFF;
	p2 =	slt.u32 s8, $0xFFFFF086  }
0x1c: {  	p1 =	slt.u32 s9, $0xF7A;
	s5 =	simm.s32 @!p2 $0x0  }
0x1d: {  	s5 =	simm.s32 @p1 $0x1;
	p0 =	seq.s32 s7, s2  }
0x1e: {  	s7 =	smul.u32 @!p0 $0xF7A, s2;
	p2 =	seq.s32 @!p0 s5, $0x0  }
0x1f: {  	s9 =	smul.u32 $0xF7A, s1;
	s8 =	simm.s32 @!p0 $0x1BF5;
	p2 =	por !p2, p0  }
0x20: {  	[sflag:s8] =	ssyncset.s32 @!p0 $0xFFFFF086;
	s6 =	sadd.s32 @!p0 s3, s7;
	s7 =	simm.s32 @!p0 $0x108  }
0x21: {  	s3 =	sadd.s32 s3, s9;
	s6 =	sadd.s32 @!p0 $0x88, s6;
	s7 =	simm.s32 @p2 $0x1082  }
0x22: {  	[simem:s7], [sflag:s8] =	dma.local @!p0 [hbm:s6], $0xF7A  }
0x23: {  	s9 =	sor.u32 $0xD0000000, s2;
	s6 =	simm.s32 $0x108;
	_ =	swait.ge @!p0 [sflag:s8], $0x0  }
0x24: {  	s3 =	sadd.s32 $0x88, s3;
	s6 =	simm.s32 @!p1 $0x1082;
	[sflag:s4] =	ssyncset.s32 $0xFFFFF086  }
0x25: {  	[simem:s6], [sflag:s4] =	dma.local [hbm:s3], $0xF7A  }
0x26: {  	[smem:$0x3F9F] =	sst s1;
	(tag) =	ssettag s2;
	_ =	strace s9  }
0x27: {  	s1 =	sld [smem:$0x3FAF]  }
0x28: {  	s2 =	sld [smem:$0x3FB0]  }
0x29: {  	s4 =	sld [smem:$0x3FB2]  }
0x2a: {  	p0 =	seq.s32 s5, $0x0;
	s5 =	sld [smem:$0x3FB3]  }
0x2b: {  	s6 =	sld [smem:$0x3FB4]  }
0x2c: {  	s7 =	sld [smem:$0x3FB5]  }
0x2d: {  	s3 =	simm.s32 $0x108;
	s8 =	sld [smem:$0x3FB6]  }
0x2e: {  	s3 =	simm.s32 @!p0 $0x1082;
	s9 =	sld [smem:$0x3FB7]  }
0x2f: {  	lr =	sadd.s32 s0, s3;
	s0 =	sld [smem:$0x3FAE]  }
0x30: {  	s3 =	sld [smem:$0x3FB1]  }
0x31: {  	[smem:$0x3FBA] =	sst s10  }
0x32: {  	s10 =	sld [smem:$0x3FB8];
	_ =	sdelay $0x3  }
0x33: {  	p0 =	seq.s32 s10, $0x1;
	s10 =	sld [smem:$0x3FBA];
	_ =	sdelay $0x3  }
0x34: {  	[smem:$0x3FBA] =	sst s10  }
0x35: {  	s10 =	sld [smem:$0x3FB9];
	_ =	sdelay $0x3  }
0x36: {  	p1 =	seq.s32 s10, $0x1;
	s10 =	sld [smem:$0x3FBA];
	_ =	sdelay $0x3  }
0x37: {  	[smem:$0x3FBA] =	sst s10  }
0x38: {  	s10 =	sld [smem:$0x3FBB]  }
0x39: {  	_ = 	snop;
	(pc) =	sbr.ind lr, $3  }
0x3a: {  	_ = 	snop  }
0x3b: {  	_ = 	snop  }
0x3c: {  	p2 =	seq.s32 s10, $0x1;
	s10 =	sld [smem:$0x3FBA]  }
0x3d: {  	_ =	shalt  }
0x3e: {  	_ =	shalt  }
0x3f: {  	_ =	shalt  }
0x40: {  	_ =	shalt  }
0x41: {  	_ =	shalt  }
0x42: {  	_ =	shalt  }
0x43: {  	_ =	shalt  }
0x44: {  	_ =	shalt  }
0x45: {  	_ =	shalt  }
0x46: {  	_ =	shalt  }
0x47: {  	_ =	shalt  }
0x48: {  	_ =	shalt  }
0x49: {  	_ =	shalt  }
0x4a: {  	_ =	shalt  }
0x4b: {  	_ =	shalt  }
0x4c: {  	_ =	shalt  }
0x4d: {  	_ =	shalt  }
0x4e: {  	_ =	shalt  }
0x4f: {  	_ =	shalt  }
0x50: {  	_ =	shalt  }
0x51: {  	_ =	shalt  }
0x52: {  	_ =	shalt  }
0x53: {  	_ =	shalt  }
0x54: {  	_ =	shalt  }
0x55: {  	_ =	shalt  }
0x56: {  	_ =	shalt  }
0x57: {  	_ =	shalt  }
0x58: {  	_ =	shalt  }
0x59: {  	_ =	shalt  }
0x5a: {  	_ =	shalt  }
0x5b: {  	_ =	shalt  }
0x5c: {  	_ =	shalt  }
0x5d: {  	_ =	shalt  }
0x5e: {  	_ =	shalt  }
0x5f: {  	_ =	shalt  }
0x60: {  	_ =	shalt  }
0x61: {  	_ =	shalt  }
0x62: {  	_ =	shalt  }
0x63: {  	_ =	shalt  }
0x64: {  	_ =	shalt  }
0x65: {  	_ =	shalt  }
0x66: {  	_ =	shalt  }
0x67: {  	_ =	shalt  }
0x68: {  	_ =	shalt  }
0x69: {  	_ =	shalt  }
0x6a: {  	_ =	shalt  }
0x6b: {  	_ =	shalt  }
0x6c: {  	_ =	shalt  }
0x6d: {  	_ =	shalt  }
0x6e: {  	_ =	shalt  }
0x6f: {  	_ =	shalt  }
0x70: {  	_ =	shalt  }
0x71: {  	_ =	shalt  }
0x72: {  	_ =	shalt  }
0x73: {  	_ =	shalt  }
0x74: {  	_ =	shalt  }
0x75: {  	_ =	shalt  }
0x76: {  	_ =	shalt  }
0x77: {  	_ =	shalt  }
0x78: {  	_ =	shalt  }
0x79: {  	_ =	shalt  }
0x7a: {  	_ =	shalt  }
0x7b: {  	_ =	shalt  }
0x7c: {  	_ =	shalt  }
0x7d: {  	_ =	shalt  }
0x7e: {  	_ =	shalt  }
0x7f: {  	_ =	shalt  }
0x80: {  	_ =	shalt  }
0x81: {  	_ =	shalt  }
0x82: {  	_ =	shalt  }
0x83: {  	_ =	shalt  }
0x84: {  	_ =	shalt  }
0x85: {  	_ =	shalt  }
0x86: {  	_ =	shalt  }
0x87: {  	_ =	shalt  }
.Lfunc_end0:
.L_simem_size_0:
called_computation_lowered:
.L_overlay_start_0:
0x88: {  	s2 =	sld [smem:$0x3FD9]  }
0x89: {  	s3 =	sld [smem:$0x3FFE];
	_ =	sdelay $0x1  }
0x8a: {  	s1 =	srdreg.scid  }
0x8b: {  	s0 =	sand.u32 $0x1, s1  }
0x8c: {  	s17 =	sshll.u32 s0, $0xA;
	s2 =	sadd.s32 s3, s2  }
0x8d: {  	s2 =	sadd.s32 s2, s17  }
0x8e: {  	[smem:$0x3FC6] =	sst s2  }
0x8f: {  	_ = 	snop  }
0x90: {  	s2 =	sld [smem:$0x3FC9]  }
0x91: {  	s18 =	sld [smem:$0x3FD0];
	(tm) =	ssettm $0x1  }
0x92: {  	s4 =	sld [smem:$0x3FFB];
	_ =	sdelay $0x3  }
0x93: {  	_ =	strace s4  }
0x94: {  	s4 =	sld [smem:$0x3FFC];
	_ =	sdelay $0x3  }
0x95: {  	_ =	strace s4  }
0x96: {  	s4 =	sld [smem:$0x3FFD];
	_ =	sdelay $0x3  }
0x97: {  	_ =	strace s4  }
0x98: {  	_ =	strace $0x8FFFFFFF  }
0x99: {  	s19 =	sld [smem:$0x3FDB];
	_ =	sdelay $0x1  }
0x9a: {  	s5 =	simm.s32 $_scs_section_size  }
0x9b: {  	s6 =	simm.s32 $_size__tile_overlayer_lowered;
	s7 =	simm.s32 $_tile_overlayer_lowered  }
0x9c: {  	s22 =	simm.s32 $0x1BFF;
	s21 =	sshll.u32 s7, $0x1;
	s4 =	sadd.s32 s5, s19  }
0x9d: {  	s8 =	simm.s32 $0x0;
	s20 =	sshll.u32 s6, $0x1;
	s6 =	sadd.s32 s21, s4  }
0x9e: {  	[timem:s8], [sflag:s22] =	dma.local [hbm:s6], s20  }
0x9f: {  	_ =	swait.ge [sflag:s22], s20  }
0xa0: {  	s5 =	ssub.s32 $0x0, s20;
	[sflag:s22] =	ssyncset.done $0x0  }
0xa1: {  	[sflag:s22] =	ssyncadd.s32 s5;
	_ =	sdelay $0x1  }
0xa2: {  	s23 =	simm.s32 $0x1B8B  }
0xa3: {  	_ =	swait.ge [sflag:s23], $0x1  }
0xa4: {  	[sflag:s23] =	ssyncset.done $0x0  }
0xa5: {  	s25 =	simm.s32 $0x1B8E;
	s24 =	sld [smem:$0x3FFE];
	[sflag:s23] =	ssyncadd.s32 $0xFFFFFFFF  }
0xa6: {  	s26 =	simm.s32 $execute0_lowered;
	[smem:$0x3FD2] =	sst s25  }
0xa7: {  	s6 =	sshll.u32 s26, $0x1;
	_ =	strace $0x80000046;
	[dreg:$0x1] =	wrdreg $0xFFFFFFFF  }
0xa8: {  	s28 =	simm.s32 $_size_execute0_lowered;
	s4 =	sadd.s32 s4, s6;
	[dreg:$0x0] =	wrdreg $0x0  }
0xa9: {  	s6 =	sshll.u32 s28, $0x1;
	[dreg:$0x2] =	wrdreg s4  }
0xaa: {  	[dreg:$0x3] =	wrdreg s6  }
0xab: {  	[dreg:$0x4] =	wrdreg $0xC0  }
0xac: {  	_ =	task [dreg:s8], $0x5FFFF  }
0xad: {  	[dreg:$0x1] =	wrdreg $0xFFFFFFFF  }
0xae: {  	[dreg:$0x0] =	wrdreg $0x60  }
0xaf: {  	[dreg:$0x2] =	wrdreg s2  }
0xb0: {  	[dreg:$0x3] =	wrdreg s24  }
0xb1: {  	[dreg:$0x4] =	wrdreg s18  }
0xb2: {  	[dreg:$0x5] =	wrdreg $0x9  }
0xb3: {  	_ =	task.clear_ibuf [dreg:s8], $0x6FFFF;
	_ =	strace $0x90000046  }
0xb4: {  	s29 =	simm.s32 $0x9;
	_ =	strace $0x80000048  }
0xb5: {  	_ =	swait.ge [sflag:s29], $0x1  }
0xb6: {  	[sflag:s29] =	ssyncadd.s32 $0xFFFFFFFF  }
0xb7: {  	_ =	strace $0x90000048  }
0xb8: {  	_ =	sfence  }
0xb9: {  	s30 =	sld [smem:$0x0];
	_ =	sdelay $0x2  }
0xba: {  	s31 =	sshll.u32 s1, $0xD;
	s1 =	sshrl.u32 s1, $0x2  }
0xbb: {  	s3 =	sand.u32 $0x4000, s31;
	s1 =	sadd.s32 s1, s30  }
0xbc: {  	s0 =	sor.u32 s3, s0;
	s1 =	sshll.u32 s1, $0x11  }
0xbd: {  	s0 =	sor.u32 s1, s0  }
0xbe: {  	s0 =	sadd.s32 $0x8F2B, s0  }
0xbf: {  	[sflag:s0] =	ssyncadd.remote.s32 $0x1  }
0xc0: {  	_ =	sfence.sel $0xFFFF  }
0xc1: {  	[dreg:$0x0] =	wrdreg $0xFFFFFFFF;
	(pc) =	sbr.abs _section_cstart, $3  }
0xc2: {  	[dreg:$0x1] =	wrdreg $0xFFFFFFFF  }
0xc3: {  	_ =	task.clear_ibuf [dreg:s8], $0x2FFFF;
	_ =	strace $0x9FFFFFFF  }
0xc4: {  	(tm) =	ssettm $0x7FFFFFFF  }
0xc5: {  	_ =	shalt  }
tec
execute0_lowered:
.L_overlay_start_1:
0x0: {  	(tag) =	ssettag $0x1  }
0x1: {  	s1 =	rddreg [dreg:$0x0];
	s0 =	srdreg.scid  }
0x2: {  	s4 =	rddreg [dreg:$0x1];
	s21 =	stileid.u32  }
0x3: {  	s2 =	rddreg [dreg:$0x2];
	s3 =	simm.s32 $0x0;
	s22 =	simm.s32 $0x880  }
0x4: {  	s24 =	simm.s32 $0x1080;
	s25 =	simm.s32 $0x1880;
	s26 =	simm.s32 $0x2080  }
0x5: {  	s7 =	simm.s32 $0x2880;
	s8 =	simm.s32 $0x3080;
	[smem:$0x7FF] =	sst s3  }
0x6: {  	s9 =	simm.s32 $0x3880;
	_ =	strace $0x80000047;
	[dreg:$0x5] =	wrdreg s22  }
0x7: {  	s10 =	simm.s32 $0x4080;
	s11 =	simm.s32 $0x4880;
	[dreg:$0x6] =	wrdreg s24  }
0x8: {  	s12 =	simm.s32 $0x5080;
	s13 =	simm.s32 $0x5880;
	[dreg:$0x7] =	wrdreg s25  }
0x9: {  	s14 =	simm.s32 $0x6080;
	s15 =	simm.s32 $0x6880;
	[dreg:$0x8] =	wrdreg s26  }
0xa: {  	s16 =	simm.s32 $0x7080;
	s17 =	simm.s32 $0x7880;
	[dreg:$0x9] =	wrdreg s7  }
0xb: {  	s18 =	simm.s32 $0x8080;
	s31 =	simm.s32 $0x9080;
	[dreg:$0xa] =	wrdreg s8  }
0xc: {  	s28 =	simm.s32 $0xF080;
	s29 =	simm.s32 $0xF880;
	[dreg:$0xb] =	wrdreg s9  }
0xd: {  	s30 =	simm.s32 $0x1;
	s0 =	sand.u32 $0x1, s0;
	[dreg:$0xc] =	wrdreg s10  }
0xe: {  	s5 =	sshll.u32 s21, $0x9;
	s21 =	sshll.u32 s21, $0x12;
	[dreg:$0xd] =	wrdreg s11  }
0xf: {  	s6 =	sshll.u32 s0, $0x8;
	s20 =	ssub.s32 $0x2, s0;
	[dreg:$0xe] =	wrdreg s12  }
0x10: {  	s7 =	sadd.s32 $0x400, s1;
	s8 =	sadd.s32 $0x500, s1;
	[dreg:$0xf] =	wrdreg s13  }
0x11: {  	s9 =	sadd.s32 $0x600, s1;
	s10 =	sadd.s32 $0x700, s1;
	[dreg:$0x10] =	wrdreg s14  }
0x12: {  	s11 =	sadd.s32 $0x800, s1;
	s12 =	sadd.s32 $0x900, s1;
	[dreg:$0x11] =	wrdreg s15  }
0x13: {  	s13 =	sadd.s32 $0xA00, s1;
	s14 =	sadd.s32 $0xB00, s1;
	[dreg:$0x12] =	wrdreg s16  }
0x14: {  	s15 =	sadd.s32 $0xC00, s1;
	s16 =	sadd.s32 $0xD00, s1;
	[dreg:$0x13] =	wrdreg s17  }
0x15: {  	s17 =	sadd.s32 $0xE00, s1;
	[dreg:$0x14] =	wrdreg s18;
	s18 =	sadd.s32 $0xF00, s1  }
0x16: {  	[dreg:$0x16] =	wrdreg s31;
	s22 =	simm.s32 $0xA080;
	s2 =	sadd.s32 s21, s2  }
0x17: {  	s0 =	sshll.u32 s0, $0x11;
	s24 =	simm.s32 $0xB080;
	s25 =	simm.s32 $0xB880  }
0x18: {  	s21 =	simm.s32 $0x2;
	s26 =	simm.s32 $0xC080;
	[dreg:$0x18] =	wrdreg s22  }
0x19: {  	s31 =	simm.s32 $0xC880;
	s5 =	sor.u32 s6, s5;
	[dreg:$0x1a] =	wrdreg s24  }
0x1a: {  	s23 =	sshrl.u32 s20, $0x1;
	s6 =	sadd.s32 $0x300, s1;
	[dreg:$0x1b] =	wrdreg s25  }
0x1b: {  	s0 =	sadd.s32 s0, s2;
	s22 =	simm.s32 $0x80;
	[dreg:$0x1c] =	wrdreg s26  }
0x1c: {  	[dreg:$0x1d] =	wrdreg s31;
	s24 =	simm.s32 $0xD880;
	s25 =	simm.s32 $0xE080  }
0x1d: {  	s19 =	ssub.s32 s20, s23;
	s20 =	simm.s32 $0x8880;
	[dreg:$0x1f] =	wrdreg s0  }
0x1e: {  	s5 =	sshrl.u32 s5, $0x3;
	s23 =	simm.s32 $0xA880;
	[dreg:$0x15] =	wrdreg s20  }
0x1f: {  	s26 =	simm.s32 $0xE880;
	s4 =	sadd.s32 s5, s4;
	[dreg:$0x19] =	wrdreg s23  }
0x20: {  	v2 =	vlaneseq.u32;
	s2 =	simm.s32 $0x0;
	s19 =	smax.u32 s19, $0x1;
	[dreg:$0x4] =	wrdreg s4  }
0x21: {  	vm0 =	vmmov $0xffff;
	v1 =	vshrl.u32 v2, $0x3;
	s5 =	sadd.s32 $0x200, s1;
	s20 =	simm.s32 $0x9880;
	[dreg:$0x1e] =	wrdreg s19  }
0x22: {  	v0 =	vand.u32 $0x7, v2;
	v2 =	vor.u32 $0x8, v2;
	v1 =	vmul.u32 $0x8, v1;
	s23 =	simm.s32 $0xD080;
	s4 =	sadd.s32 $0x100, s1;
	[dreg:$0x17] =	wrdreg s20  }
.LBB2_1:
0x23: {  	s0 =	rddreg [dreg:$0x4]  }
0x24: {  	[smem:$0x7FD] =	sst s2;
	s0 =	sadd.s32 $0x0, s0  }
0x25: {  	[tilespmem:s3], [sflag:$0x2] =	stream.linear.gather [hbm4b:s0+s3], $0x10, $0x38;
	[tilespmem:$0x10080] =	vst v63  }
0x26: {  	_ =	swait.ge [sflag:s21], $0x10  }
0x27: {  	[sflag:s21] =	ssyncset.done $0x0  }
0x28: {  	[sflag:s21] =	ssyncadd.s32 $0xFFFFFFF0  }
0x29: {  	v3 =	vld [tilespmem:$0x0];
	_ =	sdelay $0x4  }
0x2a: {  	v4 =	vshll.u32 v3, $0x5  }
0x2b: {  	v3 =	vand.u32 $0x7, v3;
	v4 =	vand.u32 $0xFFFFFF00, v4  }
0x2c: {  	v3 =	vor.u32 v3, v4  }
0x2d: {  	v4 =	vperm.xlane v3, v0;
	_ =	sdelay $0x1  }
0x2e: {  	v4 =	vadd.s32 v1, v4;
	_ =	sdelay $0x4  }
0x2f: {  	[tilespmem:s22], [sflag:$0x1] =	stream.indirect_vreg.gather [hbm4b:s1+s3], $0x80, v4, vm0, $0xb8;
	[tilespmem:$0x10080] =	vst v63  }
0x30: {  	s2 =	rddreg [dreg:$0x5]  }
0x31: {  	[tilespmem:s2], [sflag:$0x1] =	stream.indirect_vreg.gather [hbm4b:s4+s3], $0x80, v4, vm0, $0xb8;
	[tilespmem:$0x10080] =	vst v63  }
0x32: {  	s19 =	rddreg [dreg:$0x6]  }
0x33: {  	[tilespmem:s19], [sflag:$0x1] =	stream.indirect_vreg.gather [hbm4b:s5+s3], $0x80, v4, vm0, $0xb8;
	[tilespmem:$0x10080] =	vst v63  }
0x34: {  	s20 =	rddreg [dreg:$0x7]  }
0x35: {  	[tilespmem:s20], [sflag:$0x1] =	stream.indirect_vreg.gather [hbm4b:s6+s3], $0x80, v4, vm0, $0xb8;
	[tilespmem:$0x10080] =	vst v63  }
0x36: {  	s31 =	rddreg [dreg:$0x8]  }
0x37: {  	[tilespmem:s31], [sflag:$0x1] =	stream.indirect_vreg.gather [hbm4b:s7+s3], $0x80, v4, vm0, $0xb8;
	[tilespmem:$0x10080] =	vst v63  }
0x38: {  	s19 =	rddreg [dreg:$0x9]  }
0x39: {  	[tilespmem:s19], [sflag:$0x1] =	stream.indirect_vreg.gather [hbm4b:s8+s3], $0x80, v4, vm0, $0xb8;
	[tilespmem:$0x10080] =	vst v63  }
0x3a: {  	s20 =	rddreg [dreg:$0xa]  }
0x3b: {  	[tilespmem:s20], [sflag:$0x1] =	stream.indirect_vreg.gather [hbm4b:s9+s3], $0x80, v4, vm0, $0xb8;
	[tilespmem:$0x10080] =	vst v63  }
0x3c: {  	s31 =	rddreg [dreg:$0xb]  }
0x3d: {  	[tilespmem:s31], [sflag:$0x1] =	stream.indirect_vreg.gather [hbm4b:s10+s3], $0x80, v4, vm0, $0xb8;
	[tilespmem:$0x10080] =	vst v63  }
0x3e: {  	s19 =	rddreg [dreg:$0xc]  }
0x3f: {  	[tilespmem:s19], [sflag:$0x1] =	stream.indirect_vreg.gather [hbm4b:s11+s3], $0x80, v4, vm0, $0xb8;
	[tilespmem:$0x10080] =	vst v63  }
0x40: {  	s20 =	rddreg [dreg:$0xd]  }
0x41: {  	[tilespmem:s20], [sflag:$0x1] =	stream.indirect_vreg.gather [hbm4b:s12+s3], $0x80, v4, vm0, $0xb8;
	[tilespmem:$0x10080] =	vst v63  }
0x42: {  	s31 =	rddreg [dreg:$0xe]  }
0x43: {  	[tilespmem:s31], [sflag:$0x1] =	stream.indirect_vreg.gather [hbm4b:s13+s3], $0x80, v4, vm0, $0xb8;
	[tilespmem:$0x10080] =	vst v63  }
0x44: {  	s19 =	rddreg [dreg:$0xf]  }
0x45: {  	[tilespmem:s19], [sflag:$0x1] =	stream.indirect_vreg.gather [hbm4b:s14+s3], $0x80, v4, vm0, $0xb8;
	[tilespmem:$0x10080] =	vst v63  }
0x46: {  	s20 =	rddreg [dreg:$0x10]  }
0x47: {  	[tilespmem:s20], [sflag:$0x1] =	stream.indirect_vreg.gather [hbm4b:s15+s3], $0x80, v4, vm0, $0xb8;
	[tilespmem:$0x10080] =	vst v63  }
0x48: {  	v3 =	vperm.xlane v3, v2;
	s31 =	rddreg [dreg:$0x11]  }
0x49: {  	[tilespmem:s31], [sflag:$0x1] =	stream.indirect_vreg.gather [hbm4b:s16+s3], $0x80, v4, vm0, $0xb8;
	[tilespmem:$0x10080] =	vst v63  }
0x4a: {  	v3 =	vadd.s32 v1, v3;
	s19 =	rddreg [dreg:$0x12]  }
0x4b: {  	[tilespmem:s19], [sflag:$0x1] =	stream.indirect_vreg.gather [hbm4b:s17+s3], $0x80, v4, vm0, $0xb8;
	[tilespmem:$0x10080] =	vst v63  }
0x4c: {  	s20 =	rddreg [dreg:$0x13]  }
0x4d: {  	[tilespmem:s20], [sflag:$0x1] =	stream.indirect_vreg.gather [hbm4b:s18+s3], $0x80, v4, vm0, $0xb8;
	[tilespmem:$0x10080] =	vst v63  }
0x4e: {  	s31 =	rddreg [dreg:$0x14]  }
0x4f: {  	[tilespmem:s31], [sflag:$0x1] =	stream.indirect_vreg.gather [hbm4b:s1+s3], $0x80, v3, vm0, $0xb8;
	[tilespmem:$0x10080] =	vst v63  }
0x50: {  	s19 =	rddreg [dreg:$0x15]  }
0x51: {  	[tilespmem:s19], [sflag:$0x1] =	stream.indirect_vreg.gather [hbm4b:s4+s3], $0x80, v3, vm0, $0xb8;
	[tilespmem:$0x10080] =	vst v63  }
0x52: {  	s20 =	rddreg [dreg:$0x16]  }
0x53: {  	[tilespmem:s20], [sflag:$0x1] =	stream.indirect_vreg.gather [hbm4b:s5+s3], $0x80, v3, vm0, $0xb8;
	[tilespmem:$0x10080] =	vst v63  }
0x54: {  	s31 =	rddreg [dreg:$0x17]  }
0x55: {  	[tilespmem:s31], [sflag:$0x1] =	stream.indirect_vreg.gather [hbm4b:s6+s3], $0x80, v3, vm0, $0xb8;
	[tilespmem:$0x10080] =	vst v63  }
0x56: {  	s19 =	rddreg [dreg:$0x18]  }
0x57: {  	[tilespmem:s19], [sflag:$0x1] =	stream.indirect_vreg.gather [hbm4b:s7+s3], $0x80, v3, vm0, $0xb8;
	[tilespmem:$0x10080] =	vst v63  }
0x58: {  	s20 =	rddreg [dreg:$0x19]  }
0x59: {  	[tilespmem:s20], [sflag:$0x1] =	stream.indirect_vreg.gather [hbm4b:s8+s3], $0x80, v3, vm0, $0xb8;
	[tilespmem:$0x10080] =	vst v63  }
0x5a: {  	s31 =	rddreg [dreg:$0x1a]  }
0x5b: {  	[tilespmem:s31], [sflag:$0x1] =	stream.indirect_vreg.gather [hbm4b:s9+s3], $0x80, v3, vm0, $0xb8;
	[tilespmem:$0x10080] =	vst v63  }
0x5c: {  	s19 =	rddreg [dreg:$0x1b]  }
0x5d: {  	[tilespmem:s19], [sflag:$0x1] =	stream.indirect_vreg.gather [hbm4b:s10+s3], $0x80, v3, vm0, $0xb8;
	[tilespmem:$0x10080] =	vst v63  }
0x5e: {  	s20 =	rddreg [dreg:$0x1c]  }
0x5f: {  	[tilespmem:s20], [sflag:$0x1] =	stream.indirect_vreg.gather [hbm4b:s11+s3], $0x80, v3, vm0, $0xb8;
	[tilespmem:$0x10080] =	vst v63  }
0x60: {  	s31 =	rddreg [dreg:$0x1d]  }
0x61: {  	[tilespmem:s31], [sflag:$0x1] =	stream.indirect_vreg.gather [hbm4b:s12+s3], $0x80, v3, vm0, $0xb8;
	[tilespmem:$0x10080] =	vst v63  }
0x62: {  	_ = 	snop  }
0x63: {  	[tilespmem:s23], [sflag:$0x1] =	stream.indirect_vreg.gather [hbm4b:s13+s3], $0x80, v3, vm0, $0xb8;
	[tilespmem:$0x10080] =	vst v63  }
0x64: {  	_ = 	snop  }
0x65: {  	[tilespmem:s24], [sflag:$0x1] =	stream.indirect_vreg.gather [hbm4b:s14+s3], $0x80, v3, vm0, $0xb8;
	[tilespmem:$0x10080] =	vst v63  }
0x66: {  	_ = 	snop  }
0x67: {  	[tilespmem:s25], [sflag:$0x1] =	stream.indirect_vreg.gather [hbm4b:s15+s3], $0x80, v3, vm0, $0xb8;
	[tilespmem:$0x10080] =	vst v63  }
0x68: {  	_ = 	snop  }
0x69: {  	[tilespmem:s26], [sflag:$0x1] =	stream.indirect_vreg.gather [hbm4b:s16+s3], $0x80, v3, vm0, $0xb8;
	[tilespmem:$0x10080] =	vst v63  }
0x6a: {  	_ = 	snop  }
0x6b: {  	[tilespmem:s28], [sflag:$0x1] =	stream.indirect_vreg.gather [hbm4b:s17+s3], $0x80, v3, vm0, $0xb8;
	[tilespmem:$0x10080] =	vst v63  }
0x6c: {  	_ = 	snop  }
0x6d: {  	[tilespmem:s29], [sflag:$0x1] =	stream.indirect_vreg.gather [hbm4b:s18+s3], $0x80, v3, vm0, $0xb8;
	[tilespmem:$0x10080] =	vst v63  }
0x6e: {  	_ =	swait.ge [sflag:s30], $0x10000  }
0x6f: {  	[sflag:s30] =	ssyncset.done $0x0  }
0x70: {  	s20 =	rddreg [dreg:$0x1f];
	[sflag:s30] =	ssyncadd.s32 $0xFFFF0000  }
0x71: {  	[hbm4b:s20+s3] =	stream.linear.scatter [tilespmem:s22], [sflag:$0x2], $0x10000, $0x38;
	[tilespmem:$0x10080] =	vst v63  }
0x72: {  	s0 =	simm.s32 $0x2;
	_ =	swait.ge [sflag:s21], $0x10000  }
0x73: {  	s19 =	simm.s32 $0x4;
	s2 =	rddreg [dreg:$0x4];
	[sflag:s21] =	ssyncset.done $0x0  }
.LBB2_2:
0x74: {  	[sflag:s21] =	ssyncadd.s32 $0xFFFF0000;
	s2 =	sadd.s32 s0, s2  }
0x75: {  	[tilespmem:s3], [sflag:$0x2] =	stream.linear.gather [hbm4b:s2+s3], $0x10, $0x38;
	[tilespmem:$0x10080] =	vst v63  }
0x76: {  	_ =	swait.ge [sflag:s21], $0x10  }
0x77: {  	[sflag:s21] =	ssyncset.done $0x0  }
0x78: {  	[sflag:s21] =	ssyncadd.s32 $0xFFFFFFF0  }
0x79: {  	v3 =	vld [tilespmem:$0x0];
	_ =	sdelay $0x4  }
0x7a: {  	v4 =	vshll.u32 v3, $0x5  }
0x7b: {  	v3 =	vand.u32 $0x7, v3;
	v4 =	vand.u32 $0xFFFFFF00, v4  }
0x7c: {  	v3 =	vor.u32 v3, v4  }
0x7d: {  	v4 =	vperm.xlane v3, v0;
	_ =	sdelay $0x1  }
0x7e: {  	v4 =	vadd.s32 v1, v4;
	_ =	sdelay $0x4  }
0x7f: {  	[tilespmem:s22], [sflag:$0x1] =	stream.indirect_vreg.gather [hbm4b:s1+s3], $0x80, v4, vm0, $0xb8;
	[tilespmem:$0x10080] =	vst v63  }
0x80: {  	s31 =	smov.u32 s19;
	s2 =	rddreg [dreg:$0x5]  }
0x81: {  	[tilespmem:s2], [sflag:$0x1] =	stream.indirect_vreg.gather [hbm4b:s4+s3], $0x80, v4, vm0, $0xb8;
	[tilespmem:$0x10080] =	vst v63  }
0x82: {  	s0 =	smov.u32 s31;
	s31 =	rddreg [dreg:$0x6]  }
0x83: {  	[tilespmem:s31], [sflag:$0x1] =	stream.indirect_vreg.gather [hbm4b:s5+s3], $0x80, v4, vm0, $0xb8;
	[tilespmem:$0x10080] =	vst v63  }
0x84: {  	s2 =	rddreg [dreg:$0x7]  }
0x85: {  	[tilespmem:s2], [sflag:$0x1] =	stream.indirect_vreg.gather [hbm4b:s6+s3], $0x80, v4, vm0, $0xb8;
	[tilespmem:$0x10080] =	vst v63  }
0x86: {  	s31 =	rddreg [dreg:$0x8]  }
0x87: {  	[tilespmem:s31], [sflag:$0x1] =	stream.indirect_vreg.gather [hbm4b:s7+s3], $0x80, v4, vm0, $0xb8;
	[tilespmem:$0x10080] =	vst v63  }
0x88: {  	s2 =	rddreg [dreg:$0x9]  }
0x89: {  	[tilespmem:s2], [sflag:$0x1] =	stream.indirect_vreg.gather [hbm4b:s8+s3], $0x80, v4, vm0, $0xb8;
	[tilespmem:$0x10080] =	vst v63  }
0x8a: {  	s31 =	rddreg [dreg:$0xa]  }
0x8b: {  	[tilespmem:s31], [sflag:$0x1] =	stream.indirect_vreg.gather [hbm4b:s9+s3], $0x80, v4, vm0, $0xb8;
	[tilespmem:$0x10080] =	vst v63  }
0x8c: {  	s2 =	rddreg [dreg:$0xb]  }
0x8d: {  	[tilespmem:s2], [sflag:$0x1] =	stream.indirect_vreg.gather [hbm4b:s10+s3], $0x80, v4, vm0, $0xb8;
	[tilespmem:$0x10080] =	vst v63  }
0x8e: {  	s31 =	rddreg [dreg:$0xc]  }
0x8f: {  	[tilespmem:s31], [sflag:$0x1] =	stream.indirect_vreg.gather [hbm4b:s11+s3], $0x80, v4, vm0, $0xb8;
	[tilespmem:$0x10080] =	vst v63  }
0x90: {  	s2 =	rddreg [dreg:$0xd]  }
0x91: {  	[tilespmem:s2], [sflag:$0x1] =	stream.indirect_vreg.gather [hbm4b:s12+s3], $0x80, v4, vm0, $0xb8;
	[tilespmem:$0x10080] =	vst v63  }
0x92: {  	s31 =	rddreg [dreg:$0xe]  }
0x93: {  	[tilespmem:s31], [sflag:$0x1] =	stream.indirect_vreg.gather [hbm4b:s13+s3], $0x80, v4, vm0, $0xb8;
	[tilespmem:$0x10080] =	vst v63  }
0x94: {  	s2 =	rddreg [dreg:$0xf]  }
0x95: {  	[tilespmem:s2], [sflag:$0x1] =	stream.indirect_vreg.gather [hbm4b:s14+s3], $0x80, v4, vm0, $0xb8;
	[tilespmem:$0x10080] =	vst v63  }
0x96: {  	s31 =	rddreg [dreg:$0x10]  }
0x97: {  	[tilespmem:s31], [sflag:$0x1] =	stream.indirect_vreg.gather [hbm4b:s15+s3], $0x80, v4, vm0, $0xb8;
	[tilespmem:$0x10080] =	vst v63  }
0x98: {  	v3 =	vperm.xlane v3, v2;
	s2 =	rddreg [dreg:$0x11]  }
0x99: {  	[tilespmem:s2], [sflag:$0x1] =	stream.indirect_vreg.gather [hbm4b:s16+s3], $0x80, v4, vm0, $0xb8;
	[tilespmem:$0x10080] =	vst v63  }
0x9a: {  	v3 =	vadd.s32 v1, v3;
	s31 =	rddreg [dreg:$0x12]  }
0x9b: {  	[tilespmem:s31], [sflag:$0x1] =	stream.indirect_vreg.gather [hbm4b:s17+s3], $0x80, v4, vm0, $0xb8;
	[tilespmem:$0x10080] =	vst v63  }
0x9c: {  	s2 =	rddreg [dreg:$0x13]  }
0x9d: {  	[tilespmem:s2], [sflag:$0x1] =	stream.indirect_vreg.gather [hbm4b:s18+s3], $0x80, v4, vm0, $0xb8;
	[tilespmem:$0x10080] =	vst v63  }
0x9e: {  	s31 =	rddreg [dreg:$0x14]  }
0x9f: {  	[tilespmem:s31], [sflag:$0x1] =	stream.indirect_vreg.gather [hbm4b:s1+s3], $0x80, v3, vm0, $0xb8;
	[tilespmem:$0x10080] =	vst v63  }
0xa0: {  	s2 =	rddreg [dreg:$0x15]  }
0xa1: {  	[tilespmem:s2], [sflag:$0x1] =	stream.indirect_vreg.gather [hbm4b:s4+s3], $0x80, v3, vm0, $0xb8;
	[tilespmem:$0x10080] =	vst v63  }
0xa2: {  	s31 =	rddreg [dreg:$0x16]  }
0xa3: {  	[tilespmem:s31], [sflag:$0x1] =	stream.indirect_vreg.gather [hbm4b:s5+s3], $0x80, v3, vm0, $0xb8;
	[tilespmem:$0x10080] =	vst v63  }
0xa4: {  	s2 =	rddreg [dreg:$0x17]  }
0xa5: {  	[tilespmem:s2], [sflag:$0x1] =	stream.indirect_vreg.gather [hbm4b:s6+s3], $0x80, v3, vm0, $0xb8;
	[tilespmem:$0x10080] =	vst v63  }
0xa6: {  	s31 =	rddreg [dreg:$0x18]  }
0xa7: {  	[tilespmem:s31], [sflag:$0x1] =	stream.indirect_vreg.gather [hbm4b:s7+s3], $0x80, v3, vm0, $0xb8;
	[tilespmem:$0x10080] =	vst v63  }
0xa8: {  	s2 =	rddreg [dreg:$0x19]  }
0xa9: {  	[tilespmem:s2], [sflag:$0x1] =	stream.indirect_vreg.gather [hbm4b:s8+s3], $0x80, v3, vm0, $0xb8;
	[tilespmem:$0x10080] =	vst v63  }
0xaa: {  	s31 =	rddreg [dreg:$0x1a]  }
0xab: {  	[tilespmem:s31], [sflag:$0x1] =	stream.indirect_vreg.gather [hbm4b:s9+s3], $0x80, v3, vm0, $0xb8;
	[tilespmem:$0x10080] =	vst v63  }
0xac: {  	s2 =	rddreg [dreg:$0x1b]  }
0xad: {  	[tilespmem:s2], [sflag:$0x1] =	stream.indirect_vreg.gather [hbm4b:s10+s3], $0x80, v3, vm0, $0xb8;
	[tilespmem:$0x10080] =	vst v63  }
0xae: {  	s31 =	rddreg [dreg:$0x1c]  }
0xaf: {  	[tilespmem:s31], [sflag:$0x1] =	stream.indirect_vreg.gather [hbm4b:s11+s3], $0x80, v3, vm0, $0xb8;
	[tilespmem:$0x10080] =	vst v63  }
0xb0: {  	s2 =	rddreg [dreg:$0x1d]  }
0xb1: {  	[tilespmem:s2], [sflag:$0x1] =	stream.indirect_vreg.gather [hbm4b:s12+s3], $0x80, v3, vm0, $0xb8;
	[tilespmem:$0x10080] =	vst v63  }
0xb2: {  	_ = 	snop  }
0xb3: {  	[tilespmem:s23], [sflag:$0x1] =	stream.indirect_vreg.gather [hbm4b:s13+s3], $0x80, v3, vm0, $0xb8;
	[tilespmem:$0x10080] =	vst v63  }
0xb4: {  	_ = 	snop  }
0xb5: {  	[tilespmem:s24], [sflag:$0x1] =	stream.indirect_vreg.gather [hbm4b:s14+s3], $0x80, v3, vm0, $0xb8;
	[tilespmem:$0x10080] =	vst v63  }
0xb6: {  	_ = 	snop  }
0xb7: {  	[tilespmem:s25], [sflag:$0x1] =	stream.indirect_vreg.gather [hbm4b:s15+s3], $0x80, v3, vm0, $0xb8;
	[tilespmem:$0x10080] =	vst v63  }
0xb8: {  	_ = 	snop  }
0xb9: {  	[tilespmem:s26], [sflag:$0x1] =	stream.indirect_vreg.gather [hbm4b:s16+s3], $0x80, v3, vm0, $0xb8;
	[tilespmem:$0x10080] =	vst v63  }
0xba: {  	_ = 	snop  }
0xbb: {  	[tilespmem:s28], [sflag:$0x1] =	stream.indirect_vreg.gather [hbm4b:s17+s3], $0x80, v3, vm0, $0xb8;
	[tilespmem:$0x10080] =	vst v63  }
0xbc: {  	_ = 	snop  }
0xbd: {  	[tilespmem:s29], [sflag:$0x1] =	stream.indirect_vreg.gather [hbm4b:s18+s3], $0x80, v3, vm0, $0xb8;
	[tilespmem:$0x10080] =	vst v63  }
0xbe: {  	p0 =	sne.s32 s19, $0x1E;
	_ =	swait.ge [sflag:s30], $0x10000  }
.Ltmp0:
0xbf: {  	[sflag:s30] =	ssyncset.done $0x0;
	(pc) =	sbr.rel @p0 .LBB2_2-.Ltmp0, $4  }
0xc0: {  	s20 =	sadd.s32 $0x2000, s20;
	[sflag:s30] =	ssyncadd.s32 $0xFFFF0000  }
0xc1: {  	[hbm4b:s20+s3] =	stream.linear.scatter [tilespmem:s22], [sflag:$0x2], $0x10000, $0x38;
	[tilespmem:$0x10080] =	vst v63  }
0xc2: {  	_ =	swait.ge [sflag:s21], $0x10000  }
0xc3: {  	s19 =	sadd.s32 $0x2, s19;
	s2 =	rddreg [dreg:$0x4];
	[sflag:s21] =	ssyncset.done $0x0  }
0xc4: {  	[sflag:s21] =	ssyncadd.s32 $0xFFFF0000;
	s0 =	sadd.s32 s0, s2  }
0xc5: {  	[tilespmem:s3], [sflag:$0x2] =	stream.linear.gather [hbm4b:s0+s3], $0x10, $0x38;
	[tilespmem:$0x10080] =	vst v63  }
0xc6: {  	_ =	swait.ge [sflag:s21], $0x10  }
0xc7: {  	[sflag:s21] =	ssyncset.done $0x0  }
0xc8: {  	[sflag:s21] =	ssyncadd.s32 $0xFFFFFFF0  }
0xc9: {  	v3 =	vld [tilespmem:$0x0];
	_ =	sdelay $0x4  }
0xca: {  	v4 =	vshll.u32 v3, $0x5  }
0xcb: {  	v3 =	vand.u32 $0x7, v3;
	v4 =	vand.u32 $0xFFFFFF00, v4  }
0xcc: {  	v3 =	vor.u32 v3, v4  }
0xcd: {  	v4 =	vperm.xlane v3, v0;
	_ =	sdelay $0x1  }
0xce: {  	v4 =	vadd.s32 v1, v4;
	_ =	sdelay $0x4  }
0xcf: {  	[tilespmem:s22], [sflag:$0x1] =	stream.indirect_vreg.gather [hbm4b:s1+s3], $0x80, v4, vm0, $0xb8;
	[tilespmem:$0x10080] =	vst v63  }
0xd0: {  	s2 =	rddreg [dreg:$0x5]  }
0xd1: {  	[tilespmem:s2], [sflag:$0x1] =	stream.indirect_vreg.gather [hbm4b:s4+s3], $0x80, v4, vm0, $0xb8;
	[tilespmem:$0x10080] =	vst v63  }
0xd2: {  	s19 =	rddreg [dreg:$0x6]  }
0xd3: {  	[tilespmem:s19], [sflag:$0x1] =	stream.indirect_vreg.gather [hbm4b:s5+s3], $0x80, v4, vm0, $0xb8;
	[tilespmem:$0x10080] =	vst v63  }
0xd4: {  	s31 =	rddreg [dreg:$0x7]  }
0xd5: {  	[tilespmem:s31], [sflag:$0x1] =	stream.indirect_vreg.gather [hbm4b:s6+s3], $0x80, v4, vm0, $0xb8;
	[tilespmem:$0x10080] =	vst v63  }
0xd6: {  	s19 =	rddreg [dreg:$0x8]  }
0xd7: {  	[tilespmem:s19], [sflag:$0x1] =	stream.indirect_vreg.gather [hbm4b:s7+s3], $0x80, v4, vm0, $0xb8;
	[tilespmem:$0x10080] =	vst v63  }
0xd8: {  	s31 =	rddreg [dreg:$0x9]  }
0xd9: {  	[tilespmem:s31], [sflag:$0x1] =	stream.indirect_vreg.gather [hbm4b:s8+s3], $0x80, v4, vm0, $0xb8;
	[tilespmem:$0x10080] =	vst v63  }
0xda: {  	s19 =	rddreg [dreg:$0xa]  }
0xdb: {  	[tilespmem:s19], [sflag:$0x1] =	stream.indirect_vreg.gather [hbm4b:s9+s3], $0x80, v4, vm0, $0xb8;
	[tilespmem:$0x10080] =	vst v63  }
0xdc: {  	s31 =	rddreg [dreg:$0xb]  }
0xdd: {  	[tilespmem:s31], [sflag:$0x1] =	stream.indirect_vreg.gather [hbm4b:s10+s3], $0x80, v4, vm0, $0xb8;
	[tilespmem:$0x10080] =	vst v63  }
0xde: {  	s19 =	rddreg [dreg:$0xc]  }
0xdf: {  	[tilespmem:s19], [sflag:$0x1] =	stream.indirect_vreg.gather [hbm4b:s11+s3], $0x80, v4, vm0, $0xb8;
	[tilespmem:$0x10080] =	vst v63  }
0xe0: {  	s31 =	rddreg [dreg:$0xd]  }
0xe1: {  	[tilespmem:s31], [sflag:$0x1] =	stream.indirect_vreg.gather [hbm4b:s12+s3], $0x80, v4, vm0, $0xb8;
	[tilespmem:$0x10080] =	vst v63  }
0xe2: {  	s19 =	rddreg [dreg:$0xe]  }
0xe3: {  	[tilespmem:s19], [sflag:$0x1] =	stream.indirect_vreg.gather [hbm4b:s13+s3], $0x80, v4, vm0, $0xb8;
	[tilespmem:$0x10080] =	vst v63  }
0xe4: {  	s31 =	rddreg [dreg:$0xf]  }
0xe5: {  	[tilespmem:s31], [sflag:$0x1] =	stream.indirect_vreg.gather [hbm4b:s14+s3], $0x80, v4, vm0, $0xb8;
	[tilespmem:$0x10080] =	vst v63  }
0xe6: {  	s19 =	rddreg [dreg:$0x10]  }
0xe7: {  	[tilespmem:s19], [sflag:$0x1] =	stream.indirect_vreg.gather [hbm4b:s15+s3], $0x80, v4, vm0, $0xb8;
	[tilespmem:$0x10080] =	vst v63  }
0xe8: {  	v3 =	vperm.xlane v3, v2;
	s31 =	rddreg [dreg:$0x11]  }
0xe9: {  	[tilespmem:s31], [sflag:$0x1] =	stream.indirect_vreg.gather [hbm4b:s16+s3], $0x80, v4, vm0, $0xb8;
	[tilespmem:$0x10080] =	vst v63  }
0xea: {  	v3 =	vadd.s32 v1, v3;
	s19 =	rddreg [dreg:$0x12]  }
0xeb: {  	[tilespmem:s19], [sflag:$0x1] =	stream.indirect_vreg.gather [hbm4b:s17+s3], $0x80, v4, vm0, $0xb8;
	[tilespmem:$0x10080] =	vst v63  }
0xec: {  	s31 =	rddreg [dreg:$0x13]  }
0xed: {  	[tilespmem:s31], [sflag:$0x1] =	stream.indirect_vreg.gather [hbm4b:s18+s3], $0x80, v4, vm0, $0xb8;
	[tilespmem:$0x10080] =	vst v63  }
0xee: {  	s19 =	rddreg [dreg:$0x14]  }
0xef: {  	[tilespmem:s19], [sflag:$0x1] =	stream.indirect_vreg.gather [hbm4b:s1+s3], $0x80, v3, vm0, $0xb8;
	[tilespmem:$0x10080] =	vst v63  }
0xf0: {  	s31 =	rddreg [dreg:$0x15]  }
0xf1: {  	[tilespmem:s31], [sflag:$0x1] =	stream.indirect_vreg.gather [hbm4b:s4+s3], $0x80, v3, vm0, $0xb8;
	[tilespmem:$0x10080] =	vst v63  }
0xf2: {  	s19 =	rddreg [dreg:$0x16]  }
0xf3: {  	[tilespmem:s19], [sflag:$0x1] =	stream.indirect_vreg.gather [hbm4b:s5+s3], $0x80, v3, vm0, $0xb8;
	[tilespmem:$0x10080] =	vst v63  }
0xf4: {  	s31 =	rddreg [dreg:$0x17]  }
0xf5: {  	[tilespmem:s31], [sflag:$0x1] =	stream.indirect_vreg.gather [hbm4b:s6+s3], $0x80, v3, vm0, $0xb8;
	[tilespmem:$0x10080] =	vst v63  }
0xf6: {  	s19 =	rddreg [dreg:$0x18]  }
0xf7: {  	[tilespmem:s19], [sflag:$0x1] =	stream.indirect_vreg.gather [hbm4b:s7+s3], $0x80, v3, vm0, $0xb8;
	[tilespmem:$0x10080] =	vst v63  }
0xf8: {  	s31 =	rddreg [dreg:$0x19]  }
0xf9: {  	[tilespmem:s31], [sflag:$0x1] =	stream.indirect_vreg.gather [hbm4b:s8+s3], $0x80, v3, vm0, $0xb8;
	[tilespmem:$0x10080] =	vst v63  }
0xfa: {  	s19 =	rddreg [dreg:$0x1a]  }
0xfb: {  	[tilespmem:s19], [sflag:$0x1] =	stream.indirect_vreg.gather [hbm4b:s9+s3], $0x80, v3, vm0, $0xb8;
	[tilespmem:$0x10080] =	vst v63  }
0xfc: {  	s31 =	rddreg [dreg:$0x1b]  }
0xfd: {  	[tilespmem:s31], [sflag:$0x1] =	stream.indirect_vreg.gather [hbm4b:s10+s3], $0x80, v3, vm0, $0xb8;
	[tilespmem:$0x10080] =	vst v63  }
0xfe: {  	s19 =	rddreg [dreg:$0x1c]  }
0xff: {  	[tilespmem:s19], [sflag:$0x1] =	stream.indirect_vreg.gather [hbm4b:s11+s3], $0x80, v3, vm0, $0xb8;
	[tilespmem:$0x10080] =	vst v63  }
0x100: {  	s31 =	rddreg [dreg:$0x1d]  }
0x101: {  	[tilespmem:s31], [sflag:$0x1] =	stream.indirect_vreg.gather [hbm4b:s12+s3], $0x80, v3, vm0, $0xb8;
	[tilespmem:$0x10080] =	vst v63  }
0x102: {  	_ = 	snop  }
0x103: {  	[tilespmem:s23], [sflag:$0x1] =	stream.indirect_vreg.gather [hbm4b:s13+s3], $0x80, v3, vm0, $0xb8;
	[tilespmem:$0x10080] =	vst v63  }
0x104: {  	_ = 	snop  }
0x105: {  	[tilespmem:s24], [sflag:$0x1] =	stream.indirect_vreg.gather [hbm4b:s14+s3], $0x80, v3, vm0, $0xb8;
	[tilespmem:$0x10080] =	vst v63  }
0x106: {  	_ = 	snop  }
0x107: {  	[tilespmem:s25], [sflag:$0x1] =	stream.indirect_vreg.gather [hbm4b:s15+s3], $0x80, v3, vm0, $0xb8;
	[tilespmem:$0x10080] =	vst v63  }
0x108: {  	_ = 	snop  }
0x109: {  	[tilespmem:s26], [sflag:$0x1] =	stream.indirect_vreg.gather [hbm4b:s16+s3], $0x80, v3, vm0, $0xb8;
	[tilespmem:$0x10080] =	vst v63  }
0x10a: {  	_ = 	snop  }
0x10b: {  	[tilespmem:s28], [sflag:$0x1] =	stream.indirect_vreg.gather [hbm4b:s17+s3], $0x80, v3, vm0, $0xb8;
	[tilespmem:$0x10080] =	vst v63  }
0x10c: {  	_ = 	snop  }
0x10d: {  	[tilespmem:s29], [sflag:$0x1] =	stream.indirect_vreg.gather [hbm4b:s18+s3], $0x80, v3, vm0, $0xb8;
	[tilespmem:$0x10080] =	vst v63  }
0x10e: {  	_ =	swait.ge [sflag:s30], $0x10000  }
0x10f: {  	[sflag:s30] =	ssyncset.done $0x0  }
0x110: {  	s19 =	sadd.s32 $0x2000, s20;
	[sflag:s30] =	ssyncadd.s32 $0xFFFF0000  }
0x111: {  	[hbm4b:s19+s3] =	stream.linear.scatter [tilespmem:s22], [sflag:$0x2], $0x10000, $0x38;
	[tilespmem:$0x10080] =	vst v63  }
0x112: {  	_ =	swait.ge [sflag:s21], $0x10000  }
0x113: {  	s20 =	sld [smem:$0x7FD];
	_ =	sdelay $0x2  }
0x114: {  	s31 =	rddreg [dreg:$0x1e];
	s2 =	sadd.s32 $0x1, s20  }
0x115: {  	p0 =	sne.s32 s2, s31  }
.Ltmp1:
0x116: {  	_ = 	snop;
	(pc) =	sbr.rel @p0 .LBB2_1-.Ltmp1, $3  }
0x117: {  	_ =	sdelay $0x1  }
0x118: {  	[sflag:s21] =	ssyncset.done $0x0  }
0x119: {  	[sflag:s21] =	ssyncadd.s32 $0xFFFF0000  }
0x11a: {  	_ =	sfence.sel $0x180000  }
0x11b: {  	[bflag:$0x0] =	sbarrier.arrive $0xFFFF  }
0x11c: {  	_ =	strace $0x90000047  }
0x11d: {  	s0 =	stileid.u32;
	[bflag:$0x2] =	sbarrier.arrive $0xFFFF  }
0x11e: {  	p0 =	sne.s32 s0, $0x0;
	s0 =	rddreg [dreg:$0x3]  }
0x11f: {  	s0 =	sadd.s32 @!p0 $0x100000, s0  }
0x120: {  	[sflag:s0] =	ssyncadd.tile.s32 @!p0 $0x1;
	_ =	shalt  }
.Lfunc_end2:
_tile_overlayer_lowered:
.L_overlay_start_2:
0x121: {  	(tag) =	ssettag $0x2  }
0x122: {  	s0 =	rddreg [dreg:$0x0];
	s2 =	stileid.u32  }
0x123: {  	s1 =	rddreg [dreg:$0x1];
	p0 =	sne.s32 s2, $0x0  }
0x124: {  	s3 =	rddreg [dreg:$0x2];
	[bflag:$0x3] =	sbarrier.arrive $0xFFFF;
	s2 =	simm.s32 @!p0 $0x1C02  }
0x125: {  	[timem:s3], [sflag:s2] =	dma.local @!p0 [hbm:s0], s1  }
0x126: {  	s0 =	simm.s32 @!p0 $0x2  }
0x127: {  	_ =	swait.ge @!p0 [sflag:s0], s1  }
0x128: {  	s1 =	ssub.s32 @!p0 $0x0, s1;
	[sflag:s0] =	ssyncset.done @!p0 $0x0  }
0x129: {  	[sflag:s0] =	ssyncadd.s32 @!p0 s1  }
0x12a: {  	[bflag:$0x3] =	sbarrier.arrive $0xFFFF  }
0x12b: {  	_ =	shalt  }

</sc_bundles>
